<compile_context>
chip_gen: v7x
topology: tpu7x:2x2x1
jax: 0.10.2.dev20260603
libtpu: 0.0.44.dev20260713+nightly
codegen_flags: <defaults>
</compile_context>

<pallas_src>
import functools

import jax
import jax.numpy as jnp
from jax import lax
from jax.experimental import pallas as pl
from jax.experimental.pallas import tpu as pltpu
from jax.experimental.pallas import tpu_sc as plsc

B, N = 4096, 200
ROWS = B * N
AV, HV = 1000, 8
AD, HD, CD, HID = 32, 16, 16, 64
CF = 8
TV = AV * HV

NC, NS, L = 2, 16, 16
NW = NC * NS
RPW = ROWS // NW
CH = 128
NCH = RPW // CH
IDROWS = ROWS // 128
IDR_PW = IDROWS // NW


def _fold_body(atom_ref, hyb_ref, wc_ref, bc_ref, wf_ref, bf_ref,
               t3_ref, w2_ref):
    wf = wf_ref[...]
    a2 = jnp.dot(atom_ref[...], wf[0:AD, :],
                 preferred_element_type=jnp.float32)
    h2 = jnp.dot(hyb_ref[...], wf[AD:AD + HD, :],
                 preferred_element_type=jnp.float32)
    c2 = jnp.dot(bc_ref[...], wf[AD + HD:, :],
                 preferred_element_type=jnp.float32) + bf_ref[...]
    t3_ref[...] = a2[:, None, :] + (h2 + c2)[None, :, :]
    w2_ref[...] = jnp.dot(wc_ref[...], wf[AD + HD:, :],
                          preferred_element_type=jnp.float32)


def _fold(atom_table, hybrid_table, W_cont, b_cont, W_fuse, b_fuse):
    return pl.pallas_call(
        _fold_body,
        out_shape=(
            jax.ShapeDtypeStruct((AV, HV, HID), jnp.float32),
            jax.ShapeDtypeStruct((CF, HID), jnp.float32),
        ),
    )(atom_table, hybrid_table, W_cont, b_cont.reshape(1, CD),
      W_fuse, b_fuse.reshape(1, HID))


def _sc_gather_body(aid_hbm, hid_hbm, t_hbm, out_hbm,
                    cid_v, hid_v, rbuf, gsem, ssem):
    wid = lax.axis_index("s") * NC + lax.axis_index("c")
    base_ids = wid * IDR_PW
    base_out = wid * RPW

    pltpu.sync_copy(aid_hbm.at[pl.ds(base_ids, IDR_PW)], cid_v)
    pltpu.sync_copy(hid_hbm.at[pl.ds(base_ids, IDR_PW)], hid_v)

    def cid_body(j, carry):
        for i in range(128 // L):
            sl = pl.ds(i * L, L)
            cid_v[j, sl] = cid_v[j, sl] * HV + hid_v[j, sl]
        return carry
    lax.fori_loop(0, IDR_PW, cid_body, 0)

    def g_body(j, carry):
        pltpu.async_copy(t_hbm.at[cid_v.at[j]], rbuf, gsem).wait()
        pltpu.async_copy(rbuf, out_hbm.at[pl.ds(base_out + j * CH, CH)],
                         ssem).wait()
        return carry
    lax.fori_loop(0, NCH, g_body, 0)


def _sc_gather(aid2, hid2, T):
    mesh = plsc.VectorSubcoreMesh(core_axis_name="c", subcore_axis_name="s",
                                  num_cores=NC, num_subcores=NS)
    fn = pl.kernel(
        _sc_gather_body,
        out_type=jax.ShapeDtypeStruct((ROWS, 128), jnp.bfloat16),
        mesh=mesh,
        compiler_params=pltpu.CompilerParams(use_tc_tiling_on_sc=False),
        scratch_types=[
            pltpu.VMEM((IDR_PW, 128), jnp.int32),
            pltpu.VMEM((IDR_PW, 128), jnp.int32),
            pltpu.VMEM((CH, 128), jnp.bfloat16),
            pltpu.SemaphoreType.DMA,
            pltpu.SemaphoreType.DMA,
        ],
    )
    return fn(aid2, hid2, T)


RB = 2048


def _mlp_body(g_ref, x_ref, w2_ref, wo_ref, bo_ref, out_ref):
    g = g_ref[...][:, :HID].astype(jnp.float32)
    h = g + jnp.dot(x_ref[...], w2_ref[...],
                    preferred_element_type=jnp.float32)
    h = jax.nn.gelu(h)
    out_ref[...] = jnp.dot(h, wo_ref[...],
                           preferred_element_type=jnp.float32) + bo_ref[...]


def _mlp(G, X, W2, W_out, b_out):
    grid = (ROWS // RB,)
    return pl.pallas_call(
        _mlp_body,
        grid=grid,
        in_specs=[
            pl.BlockSpec((RB, 128), lambda i: (i, 0)),
            pl.BlockSpec((RB, CF), lambda i: (i, 0)),
            pl.BlockSpec((CF, HID), lambda i: (0, 0)),
            pl.BlockSpec((HID, HID), lambda i: (0, 0)),
            pl.BlockSpec((1, HID), lambda i: (0, 0)),
        ],
        out_specs=pl.BlockSpec((RB, HID), lambda i: (i, 0)),
        out_shape=jax.ShapeDtypeStruct((ROWS, HID), jnp.float32),
    )(G, X, W2, W_out, b_out.reshape(1, HID))


def kernel(atom_ids, hybrid_ids, node_continuous, atom_table, hybrid_table,
           W_cont, b_cont, W_fuse, b_fuse, W_out, b_out):
    T3, W2 = _fold(atom_table, hybrid_table, W_cont, b_cont, W_fuse, b_fuse)
    T = T3.reshape(TV, HID).astype(jnp.bfloat16)
    T = jnp.pad(T, ((0, 0), (0, 128 - HID)))
    aid2 = atom_ids.reshape(IDROWS, 128)
    hid2 = hybrid_ids.reshape(IDROWS, 128)
    G = _sc_gather(aid2, hid2, T)
    X = node_continuous.reshape(ROWS, CF)
    out = _mlp(G, X, W2, W_out, b_out)
    return out.reshape(B, N, HID)

# --- scband reference (transcript-rebuilt; emitter-appended) ---
"""Pipeline reference for scband-node-embedder-37211596653425 (READ-ONLY COPY).

The authoritative reference and input builder live on the scoring server;
editing this copy changes nothing except your own understanding.
"""

import jax, jax.numpy as jnp
import numpy as np


def setup_inputs(seed: int = 0) -> dict:
    key = jax.random.key(seed)
    ks = jax.random.split(key, 8)
    B, N = 4096, 200
    atom_vocab, hybrid_vocab = 1000, 8
    atom_dim, hybrid_dim, cont_dim, hidden_dim = 32, 16, 16, 64
    cont_feat = 8
    fused_dim = atom_dim + hybrid_dim + cont_dim
    atom_ids = jax.random.randint(ks[0], (B, N), 0, atom_vocab, dtype=jnp.int32)
    hybrid_ids = jax.random.randint(ks[1], (B, N), 0, hybrid_vocab, dtype=jnp.int32)
    node_continuous = jax.random.normal(ks[2], (B, N, cont_feat), dtype=jnp.float32)
    atom_table = jax.random.normal(ks[3], (atom_vocab, atom_dim), dtype=jnp.float32) * 0.02
    hybrid_table = jax.random.normal(ks[4], (hybrid_vocab, hybrid_dim), dtype=jnp.float32) * 0.02
    W_cont = jax.random.normal(ks[5], (cont_feat, cont_dim), dtype=jnp.float32) * 0.1
    b_cont = jnp.zeros((cont_dim,), dtype=jnp.float32)
    W_fuse = jax.random.normal(ks[6], (fused_dim, hidden_dim), dtype=jnp.float32) * 0.1
    b_fuse = jnp.zeros((hidden_dim,), dtype=jnp.float32)
    W_out = jax.random.normal(ks[7], (hidden_dim, hidden_dim), dtype=jnp.float32) * 0.1
    b_out = jnp.zeros((hidden_dim,), dtype=jnp.float32)
    return {
        'atom_ids': atom_ids,
        'hybrid_ids': hybrid_ids,
        'node_continuous': node_continuous,
        'atom_table': atom_table,
        'hybrid_table': hybrid_table,
        'W_cont': W_cont,
        'b_cont': b_cont,
        'W_fuse': W_fuse,
        'b_fuse': b_fuse,
        'W_out': W_out,
        'b_out': b_out,
    }


def reference(atom_ids, hybrid_ids, node_continuous, atom_table, hybrid_table,
              W_cont, b_cont, W_fuse, b_fuse, W_out, b_out):
    # Embedding lookups (SparseCore-friendly gathers)
    atom_emb = jnp.take(atom_table, atom_ids, axis=0)
    hybrid_emb = jnp.take(hybrid_table, hybrid_ids, axis=0)
    # Continuous projection
    cont_emb = jnp.dot(node_continuous, W_cont) + b_cont
    # Fuse
    fused = jnp.concatenate([atom_emb, hybrid_emb, cont_emb], axis=-1)
    h = jnp.dot(fused, W_fuse) + b_fuse
    h = jax.nn.gelu(h)
    h = jnp.dot(h, W_out) + b_out
    return h

if __name__ == "__main__":
    import jax
    _d = setup_inputs()
    print(jax.jit(kernel)(*tuple(_d.values())))

</pallas_src>

<mosaic_0001>
#map = affine_map<(d0, d1) -> (0, 0)>
module attributes {stable_mosaic.version = 14 : i64} {
  func.func @_sc_gather_body(%arg0: i32, %arg1: i32, %arg2: memref<6400x128xi32, #tpu.memory_space<hbm>>, %arg3: memref<6400x128xi32, #tpu.memory_space<hbm>>, %arg4: memref<8000x128xbf16, #tpu.memory_space<hbm>>, %arg5: memref<819200x128xbf16, #tpu.memory_space<hbm>>, %arg6: memref<200x128xi32, #tpu.memory_space<vmem>>, %arg7: memref<200x128xi32, #tpu.memory_space<vmem>>, %arg8: memref<128x128xbf16, #tpu.memory_space<vmem>>, %arg9: memref<!tpu.dma_semaphore, #tpu.memory_space<semaphore_mem>>, %arg10: memref<!tpu.dma_semaphore, #tpu.memory_space<semaphore_mem>>) attributes {dimension_semantics = [#tpu.dimension_semantics<core_parallel>, #tpu.dimension_semantics<subcore_parallel>], iteration_bounds = array<i64: 2, 16>, scalar_prefetch = 0 : i64, scratch_operands = 5 : i64, tpu.core_type = #tpu.core_type<sc_vector_subcore>, window_params = [{transform_indices = #map}, {transform_indices = #map}, {transform_indices = #map}, {transform_indices = #map}]} {
    %mul3A = arith.constant 2 : i32
    %mul3A_0 = arith.muli %arg1, %mul3A : i32
    %add3A = arith.addi %mul3A_0, %arg0 : i32
    %mul3A_1 = arith.constant 200 : i32
    %mul3A_2 = arith.muli %add3A, %mul3A_1 : i32
    %mul3A_3 = arith.constant 25600 : i32
    %mul3A_4 = arith.muli %add3A, %mul3A_3 : i32
    "tpu.region"() ({
      %run_scoped3A = tpu.sem_alloc : memref<!tpu.dma_semaphore, #tpu.memory_space<semaphore_mem>>
      %dma_start3A = arith.constant 0 : i32
      %dma_start3A_16 = tpu.memref_slice %arg2[%mul3A_2, %dma_start3A] : memref<6400x128xi32, #tpu.memory_space<hbm>> -> memref<200x128xi32, #tpu.memory_space<hbm>>
      %dma_start3A_17 = arith.constant 0 : i32
      %dma_start3A_18 = tpu.memref_slice %arg2[%mul3A_2, %dma_start3A_17] : memref<6400x128xi32, #tpu.memory_space<hbm>> -> memref<200x128xi32, #tpu.memory_space<hbm>>
      tpu.enqueue_dma source(%dma_start3A_18 : memref<200x128xi32, #tpu.memory_space<hbm>>) target(%arg6 : memref<200x128xi32, #tpu.memory_space<vmem>>) target_semaphore(%run_scoped3A : memref<!tpu.dma_semaphore, #tpu.memory_space<semaphore_mem>>)
      %dma_wait3A = arith.constant 0 : i32
      %dma_wait3A_19 = tpu.memref_slice %arg2[%mul3A_2, %dma_wait3A] : memref<6400x128xi32, #tpu.memory_space<hbm>> -> memref<200x128xi32, #tpu.memory_space<hbm>>
      %dma_wait3A_20 = arith.constant 0 : i32
      %dma_wait3A_21 = tpu.memref_slice %arg2[%mul3A_2, %dma_wait3A_20] : memref<6400x128xi32, #tpu.memory_space<hbm>> -> memref<200x128xi32, #tpu.memory_space<hbm>>
      tpu.wait_dma2 semaphore(%run_scoped3A : memref<!tpu.dma_semaphore, #tpu.memory_space<semaphore_mem>>) src(%dma_wait3A_21 : memref<200x128xi32, #tpu.memory_space<hbm>>) dst(%arg6 : memref<200x128xi32, #tpu.memory_space<vmem>>)
      tpu.yield
    }) : () -> ()
    "tpu.region"() ({
      %run_scoped3A = tpu.sem_alloc : memref<!tpu.dma_semaphore, #tpu.memory_space<semaphore_mem>>
      %dma_start3A = arith.constant 0 : i32
      %dma_start3A_16 = tpu.memref_slice %arg3[%mul3A_2, %dma_start3A] : memref<6400x128xi32, #tpu.memory_space<hbm>> -> memref<200x128xi32, #tpu.memory_space<hbm>>
      %dma_start3A_17 = arith.constant 0 : i32
      %dma_start3A_18 = tpu.memref_slice %arg3[%mul3A_2, %dma_start3A_17] : memref<6400x128xi32, #tpu.memory_space<hbm>> -> memref<200x128xi32, #tpu.memory_space<hbm>>
      tpu.enqueue_dma source(%dma_start3A_18 : memref<200x128xi32, #tpu.memory_space<hbm>>) target(%arg7 : memref<200x128xi32, #tpu.memory_space<vmem>>) target_semaphore(%run_scoped3A : memref<!tpu.dma_semaphore, #tpu.memory_space<semaphore_mem>>)
      %dma_wait3A = arith.constant 0 : i32
      %dma_wait3A_19 = tpu.memref_slice %arg3[%mul3A_2, %dma_wait3A] : memref<6400x128xi32, #tpu.memory_space<hbm>> -> memref<200x128xi32, #tpu.memory_space<hbm>>
      %dma_wait3A_20 = arith.constant 0 : i32
      %dma_wait3A_21 = tpu.memref_slice %arg3[%mul3A_2, %dma_wait3A_20] : memref<6400x128xi32, #tpu.memory_space<hbm>> -> memref<200x128xi32, #tpu.memory_space<hbm>>
      tpu.wait_dma2 semaphore(%run_scoped3A : memref<!tpu.dma_semaphore, #tpu.memory_space<semaphore_mem>>) src(%dma_wait3A_21 : memref<200x128xi32, #tpu.memory_space<hbm>>) dst(%arg7 : memref<200x128xi32, #tpu.memory_space<vmem>>)
      tpu.yield
    }) : () -> ()
    %scan3A = arith.constant 0 : i32
    %scan3A_5 = arith.constant 0 : i32
    %scan3A_6 = arith.constant 200 : i32
    %scan3A_7 = arith.addi %scan3A_5, %scan3A_6 : i32
    %scan3A_8 = arith.constant 1 : i32
    scf.for %scan3A_16 = %scan3A_5 to %scan3A_7 step %scan3A_8  : i32 {
      %get3A = arith.index_cast %scan3A_16 : i32 to index
      %get3A_17 = arith.constant 0 : index
      %get3A_18 = tpu.vector_load %arg6[%get3A, %get3A_17] {strides = array<i32>} : memref<200x128xi32, #tpu.memory_space<vmem>>, vector<1x16xi32>,
      %get3A_19 = vector.shape_cast %get3A_18 : vector<1x16xi32> to vector<16xi32>
      %mul3A_20 = arith.constant 8 : i32
      %mul3A_21 = vector.broadcast %mul3A_20 : i32 to vector<16xi32>
      %mul3A_22 = arith.muli %get3A_19, %mul3A_21 : vector<16xi32>
      %get3A_23 = arith.index_cast %scan3A_16 : i32 to index
      %get3A_24 = arith.constant 0 : index
      %get3A_25 = tpu.vector_load %arg7[%get3A_23, %get3A_24] {strides = array<i32>} : memref<200x128xi32, #tpu.memory_space<vmem>>, vector<1x16xi32>,
      %get3A_26 = vector.shape_cast %get3A_25 : vector<1x16xi32> to vector<16xi32>
      %add3A_27 = arith.addi %mul3A_22, %get3A_26 : vector<16xi32>
      %swap3A = arith.index_cast %scan3A_16 : i32 to index
      %swap3A_28 = arith.constant 0 : index
      %swap3A_29 = tpu.vector_load %arg6[%swap3A, %swap3A_28] {strides = array<i32>} : memref<200x128xi32, #tpu.memory_space<vmem>>, vector<1x16xi32>,
      %swap3A_30 = vector.shape_cast %swap3A_29 : vector<1x16xi32> to vector<16xi32>
      %swap3A_31 = vector.shape_cast %add3A_27 : vector<16xi32> to vector<1x16xi32>
      tpu.vector_store %arg6[%swap3A, %swap3A_28], %swap3A_31 {strides = array<i32>} : memref<200x128xi32, #tpu.memory_space<vmem>>, vector<1x16xi32>,
      %get3A_32 = arith.index_cast %scan3A_16 : i32 to index
      %get3A_33 = arith.constant 16 : index
      %get3A_34 = tpu.vector_load %arg6[%get3A_32, %get3A_33] {strides = array<i32>} : memref<200x128xi32, #tpu.memory_space<vmem>>, vector<1x16xi32>,
      %get3A_35 = vector.shape_cast %get3A_34 : vector<1x16xi32> to vector<16xi32>
      %mul3A_36 = arith.constant 8 : i32
      %mul3A_37 = vector.broadcast %mul3A_36 : i32 to vector<16xi32>
      %mul3A_38 = arith.muli %get3A_35, %mul3A_37 : vector<16xi32>
      %get3A_39 = arith.index_cast %scan3A_16 : i32 to index
      %get3A_40 = arith.constant 16 : index
      %get3A_41 = tpu.vector_load %arg7[%get3A_39, %get3A_40] {strides = array<i32>} : memref<200x128xi32, #tpu.memory_space<vmem>>, vector<1x16xi32>,
      %get3A_42 = vector.shape_cast %get3A_41 : vector<1x16xi32> to vector<16xi32>
      %add3A_43 = arith.addi %mul3A_38, %get3A_42 : vector<16xi32>
      %swap3A_44 = arith.index_cast %scan3A_16 : i32 to index
      %swap3A_45 = arith.constant 16 : index
      %swap3A_46 = tpu.vector_load %arg6[%swap3A_44, %swap3A_45] {strides = array<i32>} : memref<200x128xi32, #tpu.memory_space<vmem>>, vector<1x16xi32>,
      %swap3A_47 = vector.shape_cast %swap3A_46 : vector<1x16xi32> to vector<16xi32>
      %swap3A_48 = vector.shape_cast %add3A_43 : vector<16xi32> to vector<1x16xi32>
      tpu.vector_store %arg6[%swap3A_44, %swap3A_45], %swap3A_48 {strides = array<i32>} : memref<200x128xi32, #tpu.memory_space<vmem>>, vector<1x16xi32>,
      %get3A_49 = arith.index_cast %scan3A_16 : i32 to index
      %get3A_50 = arith.constant 32 : index
      %get3A_51 = tpu.vector_load %arg6[%get3A_49, %get3A_50] {strides = array<i32>} : memref<200x128xi32, #tpu.memory_space<vmem>>, vector<1x16xi32>,
      %get3A_52 = vector.shape_cast %get3A_51 : vector<1x16xi32> to vector<16xi32>
      %mul3A_53 = arith.constant 8 : i32
      %mul3A_54 = vector.broadcast %mul3A_53 : i32 to vector<16xi32>
      %mul3A_55 = arith.muli %get3A_52, %mul3A_54 : vector<16xi32>
      %get3A_56 = arith.index_cast %scan3A_16 : i32 to index
      %get3A_57 = arith.constant 32 : index
      %get3A_58 = tpu.vector_load %arg7[%get3A_56, %get3A_57] {strides = array<i32>} : memref<200x128xi32, #tpu.memory_space<vmem>>, vector<1x16xi32>,
      %get3A_59 = vector.shape_cast %get3A_58 : vector<1x16xi32> to vector<16xi32>
      %add3A_60 = arith.addi %mul3A_55, %get3A_59 : vector<16xi32>
      %swap3A_61 = arith.index_cast %scan3A_16 : i32 to index
      %swap3A_62 = arith.constant 32 : index
      %swap3A_63 = tpu.vector_load %arg6[%swap3A_61, %swap3A_62] {strides = array<i32>} : memref<200x128xi32, #tpu.memory_space<vmem>>, vector<1x16xi32>,
      %swap3A_64 = vector.shape_cast %swap3A_63 : vector<1x16xi32> to vector<16xi32>
      %swap3A_65 = vector.shape_cast %add3A_60 : vector<16xi32> to vector<1x16xi32>
      tpu.vector_store %arg6[%swap3A_61, %swap3A_62], %swap3A_65 {strides = array<i32>} : memref<200x128xi32, #tpu.memory_space<vmem>>, vector<1x16xi32>,
      %get3A_66 = arith.index_cast %scan3A_16 : i32 to index
      %get3A_67 = arith.constant 48 : index
      %get3A_68 = tpu.vector_load %arg6[%get3A_66, %get3A_67] {strides = array<i32>} : memref<200x128xi32, #tpu.memory_space<vmem>>, vector<1x16xi32>,
      %get3A_69 = vector.shape_cast %get3A_68 : vector<1x16xi32> to vector<16xi32>
      %mul3A_70 = arith.constant 8 : i32
      %mul3A_71 = vector.broadcast %mul3A_70 : i32 to vector<16xi32>
      %mul3A_72 = arith.muli %get3A_69, %mul3A_71 : vector<16xi32>
      %get3A_73 = arith.index_cast %scan3A_16 : i32 to index
      %get3A_74 = arith.constant 48 : index
      %get3A_75 = tpu.vector_load %arg7[%get3A_73, %get3A_74] {strides = array<i32>} : memref<200x128xi32, #tpu.memory_space<vmem>>, vector<1x16xi32>,
      %get3A_76 = vector.shape_cast %get3A_75 : vector<1x16xi32> to vector<16xi32>
      %add3A_77 = arith.addi %mul3A_72, %get3A_76 : vector<16xi32>
      %swap3A_78 = arith.index_cast %scan3A_16 : i32 to index
      %swap3A_79 = arith.constant 48 : index
      %swap3A_80 = tpu.vector_load %arg6[%swap3A_78, %swap3A_79] {strides = array<i32>} : memref<200x128xi32, #tpu.memory_space<vmem>>, vector<1x16xi32>,
      %swap3A_81 = vector.shape_cast %swap3A_80 : vector<1x16xi32> to vector<16xi32>
      %swap3A_82 = vector.shape_cast %add3A_77 : vector<16xi32> to vector<1x16xi32>
      tpu.vector_store %arg6[%swap3A_78, %swap3A_79], %swap3A_82 {strides = array<i32>} : memref<200x128xi32, #tpu.memory_space<vmem>>, vector<1x16xi32>,
      %get3A_83 = arith.index_cast %scan3A_16 : i32 to index
      %get3A_84 = arith.constant 64 : index
      %get3A_85 = tpu.vector_load %arg6[%get3A_83, %get3A_84] {strides = array<i32>} : memref<200x128xi32, #tpu.memory_space<vmem>>, vector<1x16xi32>,
      %get3A_86 = vector.shape_cast %get3A_85 : vector<1x16xi32> to vector<16xi32>
      %mul3A_87 = arith.constant 8 : i32
      %mul3A_88 = vector.broadcast %mul3A_87 : i32 to vector<16xi32>
      %mul3A_89 = arith.muli %get3A_86, %mul3A_88 : vector<16xi32>
      %get3A_90 = arith.index_cast %scan3A_16 : i32 to index
      %get3A_91 = arith.constant 64 : index
      %get3A_92 = tpu.vector_load %arg7[%get3A_90, %get3A_91] {strides = array<i32>} : memref<200x128xi32, #tpu.memory_space<vmem>>, vector<1x16xi32>,
      %get3A_93 = vector.shape_cast %get3A_92 : vector<1x16xi32> to vector<16xi32>
      %add3A_94 = arith.addi %mul3A_89, %get3A_93 : vector<16xi32>
      %swap3A_95 = arith.index_cast %scan3A_16 : i32 to index
      %swap3A_96 = arith.constant 64 : index
      %swap3A_97 = tpu.vector_load %arg6[%swap3A_95, %swap3A_96] {strides = array<i32>} : memref<200x128xi32, #tpu.memory_space<vmem>>, vector<1x16xi32>,
      %swap3A_98 = vector.shape_cast %swap3A_97 : vector<1x16xi32> to vector<16xi32>
      %swap3A_99 = vector.shape_cast %add3A_94 : vector<16xi32> to vector<1x16xi32>
      tpu.vector_store %arg6[%swap3A_95, %swap3A_96], %swap3A_99 {strides = array<i32>} : memref<200x128xi32, #tpu.memory_space<vmem>>, vector<1x16xi32>,
      %get3A_100 = arith.index_cast %scan3A_16 : i32 to index
      %get3A_101 = arith.constant 80 : index
      %get3A_102 = tpu.vector_load %arg6[%get3A_100, %get3A_101] {strides = array<i32>} : memref<200x128xi32, #tpu.memory_space<vmem>>, vector<1x16xi32>,
      %get3A_103 = vector.shape_cast %get3A_102 : vector<1x16xi32> to vector<16xi32>
      %mul3A_104 = arith.constant 8 : i32
      %mul3A_105 = vector.broadcast %mul3A_104 : i32 to vector<16xi32>
      %mul3A_106 = arith.muli %get3A_103, %mul3A_105 : vector<16xi32>
      %get3A_107 = arith.index_cast %scan3A_16 : i32 to index
      %get3A_108 = arith.constant 80 : index
      %get3A_109 = tpu.vector_load %arg7[%get3A_107, %get3A_108] {strides = array<i32>} : memref<200x128xi32, #tpu.memory_space<vmem>>, vector<1x16xi32>,
      %get3A_110 = vector.shape_cast %get3A_109 : vector<1x16xi32> to vector<16xi32>
      %add3A_111 = arith.addi %mul3A_106, %get3A_110 : vector<16xi32>
      %swap3A_112 = arith.index_cast %scan3A_16 : i32 to index
      %swap3A_113 = arith.constant 80 : index
      %swap3A_114 = tpu.vector_load %arg6[%swap3A_112, %swap3A_113] {strides = array<i32>} : memref<200x128xi32, #tpu.memory_space<vmem>>, vector<1x16xi32>,
      %swap3A_115 = vector.shape_cast %swap3A_114 : vector<1x16xi32> to vector<16xi32>
      %swap3A_116 = vector.shape_cast %add3A_111 : vector<16xi32> to vector<1x16xi32>
      tpu.vector_store %arg6[%swap3A_112, %swap3A_113], %swap3A_116 {strides = array<i32>} : memref<200x128xi32, #tpu.memory_space<vmem>>, vector<1x16xi32>,
      %get3A_117 = arith.index_cast %scan3A_16 : i32 to index
      %get3A_118 = arith.constant 96 : index
      %get3A_119 = tpu.vector_load %arg6[%get3A_117, %get3A_118] {strides = array<i32>} : memref<200x128xi32, #tpu.memory_space<vmem>>, vector<1x16xi32>,
      %get3A_120 = vector.shape_cast %get3A_119 : vector<1x16xi32> to vector<16xi32>
      %mul3A_121 = arith.constant 8 : i32
      %mul3A_122 = vector.broadcast %mul3A_121 : i32 to vector<16xi32>
      %mul3A_123 = arith.muli %get3A_120, %mul3A_122 : vector<16xi32>
      %get3A_124 = arith.index_cast %scan3A_16 : i32 to index
      %get3A_125 = arith.constant 96 : index
      %get3A_126 = tpu.vector_load %arg7[%get3A_124, %get3A_125] {strides = array<i32>} : memref<200x128xi32, #tpu.memory_space<vmem>>, vector<1x16xi32>,
      %get3A_127 = vector.shape_cast %get3A_126 : vector<1x16xi32> to vector<16xi32>
      %add3A_128 = arith.addi %mul3A_123, %get3A_127 : vector<16xi32>
      %swap3A_129 = arith.index_cast %scan3A_16 : i32 to index
      %swap3A_130 = arith.constant 96 : index
      %swap3A_131 = tpu.vector_load %arg6[%swap3A_129, %swap3A_130] {strides = array<i32>} : memref<200x128xi32, #tpu.memory_space<vmem>>, vector<1x16xi32>,
      %swap3A_132 = vector.shape_cast %swap3A_131 : vector<1x16xi32> to vector<16xi32>
      %swap3A_133 = vector.shape_cast %add3A_128 : vector<16xi32> to vector<1x16xi32>
      tpu.vector_store %arg6[%swap3A_129, %swap3A_130], %swap3A_133 {strides = array<i32>} : memref<200x128xi32, #tpu.memory_space<vmem>>, vector<1x16xi32>,
      %get3A_134 = arith.index_cast %scan3A_16 : i32 to index
      %get3A_135 = arith.constant 112 : index
      %get3A_136 = tpu.vector_load %arg6[%get3A_134, %get3A_135] {strides = array<i32>} : memref<200x128xi32, #tpu.memory_space<vmem>>, vector<1x16xi32>,
      %get3A_137 = vector.shape_cast %get3A_136 : vector<1x16xi32> to vector<16xi32>
      %mul3A_138 = arith.constant 8 : i32
      %mul3A_139 = vector.broadcast %mul3A_138 : i32 to vector<16xi32>
      %mul3A_140 = arith.muli %get3A_137, %mul3A_139 : vector<16xi32>
      %get3A_141 = arith.index_cast %scan3A_16 : i32 to index
      %get3A_142 = arith.constant 112 : index
      %get3A_143 = tpu.vector_load %arg7[%get3A_141, %get3A_142] {strides = array<i32>} : memref<200x128xi32, #tpu.memory_space<vmem>>, vector<1x16xi32>,
      %get3A_144 = vector.shape_cast %get3A_143 : vector<1x16xi32> to vector<16xi32>
      %add3A_145 = arith.addi %mul3A_140, %get3A_144 : vector<16xi32>
      %swap3A_146 = arith.index_cast %scan3A_16 : i32 to index
      %swap3A_147 = arith.constant 112 : index
      %swap3A_148 = tpu.vector_load %arg6[%swap3A_146, %swap3A_147] {strides = array<i32>} : memref<200x128xi32, #tpu.memory_space<vmem>>, vector<1x16xi32>,
      %swap3A_149 = vector.shape_cast %swap3A_148 : vector<1x16xi32> to vector<16xi32>
      %swap3A_150 = vector.shape_cast %add3A_145 : vector<16xi32> to vector<1x16xi32>
      tpu.vector_store %arg6[%swap3A_146, %swap3A_147], %swap3A_150 {strides = array<i32>} : memref<200x128xi32, #tpu.memory_space<vmem>>, vector<1x16xi32>,
    }
    %scan3A_9 = arith.constant 200 : i32
    %scan3A_10 = arith.constant 0 : i32
    %scan3A_11 = arith.constant 0 : i32
    %scan3A_12 = arith.constant 200 : i32
    %scan3A_13 = arith.addi %scan3A_11, %scan3A_12 : i32
    %scan3A_14 = arith.constant 1 : i32
    scf.for %scan3A_16 = %scan3A_11 to %scan3A_13 step %scan3A_14  : i32 {
      %dma_start3A = arith.constant 0 : i32
      %dma_start3A_17 = tpu.memref_slice %arg6[%scan3A_16, %dma_start3A] : memref<200x128xi32, #tpu.memory_space<vmem>> -> memref<1x128xi32, #tpu.memory_space<vmem>>
      %dma_start3A_18 = tpu.memref_squeeze %dma_start3A_17 : memref<1x128xi32, #tpu.memory_space<vmem>> -> memref<128xi32, #tpu.memory_space<vmem>>
      %dma_start3A_19 = arith.constant 0 : i32
      %dma_start3A_20 = arith.constant 0 : i32
      %dma_start3A_21 = tpu.memref_slice %arg4[%dma_start3A_19, %dma_start3A_20] : memref<8000x128xbf16, #tpu.memory_space<hbm>> -> memref<8000x128xbf16, #tpu.memory_space<hbm>>
      tpu.enqueue_indirect_dma source(%dma_start3A_21 : memref<8000x128xbf16, #tpu.memory_space<hbm>>) target(%arg8 : memref<128x128xbf16, #tpu.memory_space<vmem>>) offsets(%dma_start3A_18 : memref<128xi32, #tpu.memory_space<vmem>>) semaphore(%arg9 : memref<!tpu.dma_semaphore, #tpu.memory_space<semaphore_mem>>)
      %dma_wait3A = arith.constant 0 : i32
      %dma_wait3A_22 = tpu.memref_slice %arg6[%scan3A_16, %dma_wait3A] : memref<200x128xi32, #tpu.memory_space<vmem>> -> memref<1x128xi32, #tpu.memory_space<vmem>>
      %dma_wait3A_23 = tpu.memref_squeeze %dma_wait3A_22 : memref<1x128xi32, #tpu.memory_space<vmem>> -> memref<128xi32, #tpu.memory_space<vmem>>
      %dma_wait3A_24 = arith.constant 0 : i32
      %dma_wait3A_25 = arith.constant 0 : i32
      %dma_wait3A_26 = tpu.memref_slice %arg4[%dma_wait3A_24, %dma_wait3A_25] : memref<8000x128xbf16, #tpu.memory_space<hbm>> -> memref<8000x128xbf16, #tpu.memory_space<hbm>>
      tpu.wait_indirect_dma semaphore(%arg9 : memref<!tpu.dma_semaphore, #tpu.memory_space<semaphore_mem>>) src(%dma_wait3A_26 : memref<8000x128xbf16, #tpu.memory_space<hbm>>) dst(%arg8 : memref<128x128xbf16, #tpu.memory_space<vmem>>)
      %mul3A_27 = arith.constant 128 : i32
      %mul3A_28 = arith.muli %scan3A_16, %mul3A_27 : i32
      %add3A_29 = arith.addi %mul3A_4, %mul3A_28 : i32
      %dma_start3A_30 = arith.constant 0 : i32
      %dma_start3A_31 = tpu.memref_slice %arg5[%add3A_29, %dma_start3A_30] : memref<819200x128xbf16, #tpu.memory_space<hbm>> -> memref<128x128xbf16, #tpu.memory_space<hbm>>
      %dma_start3A_32 = arith.constant 0 : i32
      %dma_start3A_33 = tpu.memref_slice %arg5[%add3A_29, %dma_start3A_32] : memref<819200x128xbf16, #tpu.memory_space<hbm>> -> memref<128x128xbf16, #tpu.memory_space<hbm>>
      tpu.enqueue_dma source(%arg8 : memref<128x128xbf16, #tpu.memory_space<vmem>>) target(%dma_start3A_33 : memref<128x128xbf16, #tpu.memory_space<hbm>>) target_semaphore(%arg10 : memref<!tpu.dma_semaphore, #tpu.memory_space<semaphore_mem>>)
      %dma_wait3A_34 = arith.constant 0 : i32
      %dma_wait3A_35 = tpu.memref_slice %arg5[%add3A_29, %dma_wait3A_34] : memref<819200x128xbf16, #tpu.memory_space<hbm>> -> memref<128x128xbf16, #tpu.memory_space<hbm>>
      %dma_wait3A_36 = arith.constant 0 : i32
      %dma_wait3A_37 = tpu.memref_slice %arg5[%add3A_29, %dma_wait3A_36] : memref<819200x128xbf16, #tpu.memory_space<hbm>> -> memref<128x128xbf16, #tpu.memory_space<hbm>>
      tpu.wait_dma2 semaphore(%arg10 : memref<!tpu.dma_semaphore, #tpu.memory_space<semaphore_mem>>) src(%arg8 : memref<128x128xbf16, #tpu.memory_space<vmem>>) dst(%dma_wait3A_37 : memref<128x128xbf16, #tpu.memory_space<hbm>>)
    }
    %scan3A_15 = arith.constant 200 : i32
    return
  }
}

module attributes {stable_mosaic.version = 14 : i64} {
  func.func @_fold_body(%arg0: memref<1000x32xf32, #tpu.memory_space<vmem>>, %arg1: memref<8x16xf32, #tpu.memory_space<vmem>>, %arg2: memref<8x16xf32, #tpu.memory_space<vmem>>, %arg3: memref<1x16xf32, #tpu.memory_space<vmem>>, %arg4: memref<64x64xf32, #tpu.memory_space<vmem>>, %arg5: memref<1x64xf32, #tpu.memory_space<vmem>>, %arg6: memref<1000x8x64xf32, #tpu.memory_space<vmem>>, %arg7: memref<8x64xf32, #tpu.memory_space<vmem>>) attributes {dimension_semantics = [], scalar_prefetch = 0 : i64, scratch_operands = 0 : i64, tpu.core_type = #tpu.core_type<tc>} {
    %get3A = arith.constant 0 : index
    %get3A_0 = arith.constant 0 : index
    %get3A_1 = vector.load %arg4[%get3A, %get3A_0] : memref<64x64xf32, #tpu.memory_space<vmem>>, vector<64x64xf32>
    %get3A_2 = arith.constant 0 : index
    %get3A_3 = arith.constant 0 : index
    %get3A_4 = vector.load %arg0[%get3A_2, %get3A_3] : memref<1000x32xf32, #tpu.memory_space<vmem>>, vector<1000x32xf32>
    %slice3A = vector.extract_strided_slice %get3A_1 {offsets = [0, 0], sizes = [32, 64], strides = [1, 1]} : vector<64x64xf32> to vector<32x64xf32>
    %dot_general3A = arith.constant dense<0.000000e+00> : vector<1000x64xf32>
    %dot_general3A_5 = tpu.matmul %get3A_4, %slice3A, %dot_general3A {dimension_numbers = #tpu.dot_dimension_numbers<[1], [0], [0], [1], [0, 0, 1, 1], [], []>, transpose_lhs_hint = false} : vector<1000x32xf32>, vector<32x64xf32>, vector<1000x64xf32> -> vector<1000x64xf32>
    %get3A_6 = arith.constant 0 : index
    %get3A_7 = arith.constant 0 : index
    %get3A_8 = vector.load %arg1[%get3A_6, %get3A_7] : memref<8x16xf32, #tpu.memory_space<vmem>>, vector<8x16xf32>
    %slice3A_9 = vector.extract_strided_slice %get3A_1 {offsets = [32, 0], sizes = [16, 64], strides = [1, 1]} : vector<64x64xf32> to vector<16x64xf32>
    %dot_general3A_10 = arith.constant dense<0.000000e+00> : vector<8x64xf32>
    %dot_general3A_11 = tpu.matmul %get3A_8, %slice3A_9, %dot_general3A_10 {dimension_numbers = #tpu.dot_dimension_numbers<[1], [0], [0], [1], [0, 0, 1, 1], [], []>, transpose_lhs_hint = false} : vector<8x16xf32>, vector<16x64xf32>, vector<8x64xf32> -> vector<8x64xf32>
    %get3A_12 = arith.constant 0 : index
    %get3A_13 = arith.constant 0 : index
    %get3A_14 = vector.load %arg3[%get3A_12, %get3A_13] : memref<1x16xf32, #tpu.memory_space<vmem>>, vector<1x16xf32>
    %slice3A_15 = vector.extract_strided_slice %get3A_1 {offsets = [48, 0], sizes = [16, 64], strides = [1, 1]} : vector<64x64xf32> to vector<16x64xf32>
    %dot_general3A_16 = arith.constant dense<0.000000e+00> : vector<1x64xf32>
    %dot_general3A_17 = tpu.matmul %get3A_14, %slice3A_15, %dot_general3A_16 {dimension_numbers = #tpu.dot_dimension_numbers<[1], [0], [0], [1], [0, 0, 1, 1], [], []>, transpose_lhs_hint = false} : vector<1x16xf32>, vector<16x64xf32>, vector<1x64xf32> -> vector<1x64xf32>
    %get3A_18 = arith.constant 0 : index
    %get3A_19 = arith.constant 0 : index
    %get3A_20 = vector.load %arg5[%get3A_18, %get3A_19] : memref<1x64xf32, #tpu.memory_space<vmem>>, vector<1x64xf32>
    %add3A = arith.addf %dot_general3A_17, %get3A_20 : vector<1x64xf32>
    %broadcast_in_dim3A = vector.shape_cast %dot_general3A_5 : vector<1000x64xf32> to vector<1000x1x64xf32>
    %add3A_21 = vector.broadcast %add3A : vector<1x64xf32> to vector<8x64xf32>
    %add3A_22 = arith.addf %dot_general3A_11, %add3A_21 : vector<8x64xf32>
    %broadcast_in_dim3A_23 = vector.shape_cast %add3A_22 : vector<8x64xf32> to vector<1x8x64xf32>
    %add3A_24 = vector.broadcast %broadcast_in_dim3A : vector<1000x1x64xf32> to vector<1000x8x64xf32>
    %add3A_25 = vector.broadcast %broadcast_in_dim3A_23 : vector<1x8x64xf32> to vector<1000x8x64xf32>
    %add3A_26 = arith.addf %add3A_24, %add3A_25 : vector<1000x8x64xf32>
    %swap3A = arith.constant 0 : index
    %swap3A_27 = arith.constant 0 : index
    %swap3A_28 = arith.constant 0 : index
    %swap3A_29 = vector.load %arg6[%swap3A, %swap3A_27, %swap3A_28] : memref<1000x8x64xf32, #tpu.memory_space<vmem>>, vector<1000x8x64xf32>
    tpu.vector_store %arg6[%swap3A, %swap3A_27, %swap3A_28], %add3A_26 {strides = array<i32>} : memref<1000x8x64xf32, #tpu.memory_space<vmem>>, vector<1000x8x64xf32>,
    %get3A_30 = arith.constant 0 : index
    %get3A_31 = arith.constant 0 : index
    %get3A_32 = vector.load %arg2[%get3A_30, %get3A_31] : memref<8x16xf32, #tpu.memory_space<vmem>>, vector<8x16xf32>
    %slice3A_33 = vector.extract_strided_slice %get3A_1 {offsets = [48, 0], sizes = [16, 64], strides = [1, 1]} : vector<64x64xf32> to vector<16x64xf32>
    %dot_general3A_34 = arith.constant dense<0.000000e+00> : vector<8x64xf32>
    %dot_general3A_35 = tpu.matmul %get3A_32, %slice3A_33, %dot_general3A_34 {dimension_numbers = #tpu.dot_dimension_numbers<[1], [0], [0], [1], [0, 0, 1, 1], [], []>, transpose_lhs_hint = false} : vector<8x16xf32>, vector<16x64xf32>, vector<8x64xf32> -> vector<8x64xf32>
    %swap3A_36 = arith.constant 0 : index
    %swap3A_37 = arith.constant 0 : index
    %swap3A_38 = vector.load %arg7[%swap3A_36, %swap3A_37] : memref<8x64xf32, #tpu.memory_space<vmem>>, vector<8x64xf32>
    tpu.vector_store %arg7[%swap3A_36, %swap3A_37], %dot_general3A_35 {strides = array<i32>} : memref<8x64xf32, #tpu.memory_space<vmem>>, vector<8x64xf32>,
    return
  }
}

module attributes {stable_mosaic.version = 14 : i64} {
  func.func @_mlp_body(%arg0: i32, %arg1: memref<2048x128xbf16, #tpu.memory_space<vmem>>, %arg2: memref<2048x8xf32, #tpu.memory_space<vmem>>, %arg3: memref<8x64xf32, #tpu.memory_space<vmem>>, %arg4: memref<64x64xf32, #tpu.memory_space<vmem>>, %arg5: memref<1x64xf32, #tpu.memory_space<vmem>>, %arg6: memref<2048x64xf32, #tpu.memory_space<vmem>>) attributes {dimension_semantics = [#tpu.dimension_semantics<arbitrary>], iteration_bounds = array<i64: 400>, scalar_prefetch = 0 : i64, scratch_operands = 0 : i64, tpu.core_type = #tpu.core_type<tc>, window_params = [{transform_indices = @transform_0, window_bounds = array<i64: 2048, 128>}, {transform_indices = @transform_1, window_bounds = array<i64: 2048, 8>}, {pipeline_mode = #tpu.pipeline_mode<synchronous>, transform_indices = @transform_2, window_bounds = array<i64: 8, 64>}, {pipeline_mode = #tpu.pipeline_mode<synchronous>, transform_indices = @transform_3, window_bounds = array<i64: 64, 64>}, {pipeline_mode = #tpu.pipeline_mode<synchronous>, transform_indices = @transform_4, window_bounds = array<i64: 1, 64>}, {transform_indices = @transform_5, window_bounds = array<i64: 2048, 64>}]} {
    %get3A = arith.constant 0 : index
    %get3A_0 = arith.constant 0 : index
    %get3A_1 = vector.load %arg1[%get3A, %get3A_0] : memref<2048x128xbf16, #tpu.memory_space<vmem>>, vector<2048x128xbf16>
    %slice3A = vector.extract_strided_slice %get3A_1 {offsets = [0, 0], sizes = [2048, 64], strides = [1, 1]} : vector<2048x128xbf16> to vector<2048x64xbf16>
    %convert_element_type3A = arith.extf %slice3A : vector<2048x64xbf16> to vector<2048x64xf32>
    %get3A_2 = arith.constant 0 : index
    %get3A_3 = arith.constant 0 : index
    %get3A_4 = vector.load %arg2[%get3A_2, %get3A_3] : memref<2048x8xf32, #tpu.memory_space<vmem>>, vector<2048x8xf32>
    %get3A_5 = arith.constant 0 : index
    %get3A_6 = arith.constant 0 : index
    %get3A_7 = vector.load %arg3[%get3A_5, %get3A_6] : memref<8x64xf32, #tpu.memory_space<vmem>>, vector<8x64xf32>
    %dot_general3A = arith.constant dense<0.000000e+00> : vector<2048x64xf32>
    %dot_general3A_8 = tpu.matmul %get3A_4, %get3A_7, %dot_general3A {dimension_numbers = #tpu.dot_dimension_numbers<[1], [0], [0], [1], [0, 0, 1, 1], [], []>, transpose_lhs_hint = false} : vector<2048x8xf32>, vector<8x64xf32>, vector<2048x64xf32> -> vector<2048x64xf32>
    %add3A = arith.addf %convert_element_type3A, %dot_general3A_8 : vector<2048x64xf32>
    %integer_pow3A = arith.mulf %add3A, %add3A : vector<2048x64xf32>
    %integer_pow3A_9 = arith.mulf %add3A, %integer_pow3A : vector<2048x64xf32>
    %mul3A = arith.constant 4.471500e-02 : f32
    %mul3A_10 = vector.broadcast %mul3A : f32 to vector<2048x64xf32>
    %mul3A_11 = arith.mulf %mul3A_10, %integer_pow3A_9 : vector<2048x64xf32>
    %add3A_12 = arith.addf %add3A, %mul3A_11 : vector<2048x64xf32>
    %mul3A_13 = arith.constant 0.797884583 : f32
    %mul3A_14 = vector.broadcast %mul3A_13 : f32 to vector<2048x64xf32>
    %mul3A_15 = arith.mulf %mul3A_14, %add3A_12 : vector<2048x64xf32>
    %tanh3A = math.tanh %mul3A_15 : vector<2048x64xf32>
    %add3A_16 = arith.constant 1.000000e+00 : f32
    %add3A_17 = vector.broadcast %add3A_16 : f32 to vector<2048x64xf32>
    %add3A_18 = arith.addf %add3A_17, %tanh3A : vector<2048x64xf32>
    %mul3A_19 = arith.constant 5.000000e-01 : f32
    %mul3A_20 = vector.broadcast %mul3A_19 : f32 to vector<2048x64xf32>
    %mul3A_21 = arith.mulf %mul3A_20, %add3A_18 : vector<2048x64xf32>
    %mul3A_22 = arith.mulf %add3A, %mul3A_21 : vector<2048x64xf32>
    %get3A_23 = arith.constant 0 : index
    %get3A_24 = arith.constant 0 : index
    %get3A_25 = vector.load %arg4[%get3A_23, %get3A_24] : memref<64x64xf32, #tpu.memory_space<vmem>>, vector<64x64xf32>
    %dot_general3A_26 = arith.constant dense<0.000000e+00> : vector<2048x64xf32>
    %dot_general3A_27 = tpu.matmul %mul3A_22, %get3A_25, %dot_general3A_26 {dimension_numbers = #tpu.dot_dimension_numbers<[1], [0], [0], [1], [0, 0, 1, 1], [], []>, transpose_lhs_hint = false} : vector<2048x64xf32>, vector<64x64xf32>, vector<2048x64xf32> -> vector<2048x64xf32>
    %get3A_28 = arith.constant 0 : index
    %get3A_29 = arith.constant 0 : index
    %get3A_30 = vector.load %arg5[%get3A_28, %get3A_29] : memref<1x64xf32, #tpu.memory_space<vmem>>, vector<1x64xf32>
    %add3A_31 = vector.broadcast %get3A_30 : vector<1x64xf32> to vector<2048x64xf32>
    %add3A_32 = arith.addf %dot_general3A_27, %add3A_31 : vector<2048x64xf32>
    %swap3A = arith.constant 0 : index
    %swap3A_33 = arith.constant 0 : index
    %swap3A_34 = vector.load %arg6[%swap3A, %swap3A_33] : memref<2048x64xf32, #tpu.memory_space<vmem>>, vector<2048x64xf32>
    tpu.vector_store %arg6[%swap3A, %swap3A_33], %add3A_32 {strides = array<i32>} : memref<2048x64xf32, #tpu.memory_space<vmem>>, vector<2048x64xf32>,
    return
  }
  func.func @transform_0(%arg0: i32) -> (i32, i32) {
    %c0_i32 = arith.constant 0 : i32
    %c0_i32_0 = arith.constant 0 : i32
    return %arg0, %c0_i32 : i32, i32
  }
  func.func @transform_1(%arg0: i32) -> (i32, i32) {
    %c0_i32 = arith.constant 0 : i32
    %c0_i32_0 = arith.constant 0 : i32
    return %arg0, %c0_i32 : i32, i32
  }
  func.func @transform_2(%arg0: i32) -> (i32, i32) {
    %c0_i32 = arith.constant 0 : i32
    %c0_i32_0 = arith.constant 0 : i32
    %c0_i32_1 = arith.constant 0 : i32
    return %c0_i32, %c0_i32_0 : i32, i32
  }
  func.func @transform_3(%arg0: i32) -> (i32, i32) {
    %c0_i32 = arith.constant 0 : i32
    %c0_i32_0 = arith.constant 0 : i32
    %c0_i32_1 = arith.constant 0 : i32
    return %c0_i32, %c0_i32_0 : i32, i32
  }
  func.func @transform_4(%arg0: i32) -> (i32, i32) {
    %c0_i32 = arith.constant 0 : i32
    %c0_i32_0 = arith.constant 0 : i32
    %c0_i32_1 = arith.constant 0 : i32
    return %c0_i32, %c0_i32_0 : i32, i32
  }
  func.func @transform_5(%arg0: i32) -> (i32, i32) {
    %c0_i32 = arith.constant 0 : i32
    %c0_i32_0 = arith.constant 0 : i32
    return %arg0, %c0_i32 : i32, i32
  }
}

</mosaic_0001>

<sc_bundles>
// kernel: kernel.5.cloned.1.call-start
scs
__scs_entry_jumppad:
0x0: {  	(pc) =	sbr.rel $0x88, $3  }
0x1: {  	(tag) =	ssettag $0x0;
	lr =	simm.s32 $0x1  }
0x2: {  	[smem:$0x3F96] =	sst lr;
	_ =	strace $0xD0000000  }
0x3: {  	_ = 	snop  }
0x4: {  	_ = 	snop  }
0x5: {  	_ = 	snop  }
0x6: {  	_ = 	snop  }
0x7: {  	_ = 	snop  }
__scs_overlays_trampoline_lowered:
0x8: {  	[smem:$0x3FA5] =	sst s0  }
0x9: {  	[smem:$0x3FA6] =	sst s1  }
0xa: {  	[smem:$0x3FA7] =	sst s2  }
0xb: {  	[smem:$0x3FA8] =	sst s3  }
0xc: {  	[smem:$0x3FA9] =	sst s4  }
0xd: {  	[smem:$0x3FAA] =	sst s5  }
0xe: {  	[smem:$0x3FAB] =	sst s6  }
0xf: {  	[smem:$0x3FAC] =	sst s7  }
0x10: {  	[smem:$0x3FAD] =	sst s8  }
0x11: {  	[smem:$0x3FAE] =	sst s9;
	s0 =	simm.s32 @!p0 $0x0  }
0x12: {  	s1 =	sld [smem:$0x3F94];
	s0 =	simm.s32 @p0 $0x1  }
0x13: {  	[smem:$0x3FAF] =	sst s0;
	s0 =	simm.s32 @!p1 $0x0  }
0x14: {  	s2 =	sld [smem:$0x3F93];
	s0 =	simm.s32 @p1 $0x1  }
0x15: {  	[smem:$0x3FB0] =	sst s0;
	s0 =	simm.s32 @!p2 $0x0  }
0x16: {  	s3 =	sld [smem:$0x3FDB];
	s0 =	simm.s32 @p2 $0x1  }
0x17: {  	s4 =	simm.s32 $0x1BF5;
	[smem:$0x3FB2] =	sst s0  }
0x18: {  	s0 =	sld [smem:$0x3F95];
	_ =	swait.ge [sflag:s4], $0x0  }
0x19: {  	s7 =	sld [smem:$0x3F96]  }
0x1a: {  	s8 =	sadd.s32 $0xFFFFE003, lr  }
0x1b: {  	s9 =	sadd.s32 $0xFFFFFEF7, lr;
	s5 =	simm.s32 $0xFFFFFFFF;
	p2 =	slt.u32 s8, $0xFFFFF086  }
0x1c: {  	p1 =	slt.u32 s9, $0xF7A;
	s5 =	simm.s32 @!p2 $0x0  }
0x1d: {  	s5 =	simm.s32 @p1 $0x1;
	p0 =	seq.s32 s7, s2  }
0x1e: {  	s7 =	smul.u32 @!p0 $0xF7A, s2;
	p2 =	seq.s32 @!p0 s5, $0x0  }
0x1f: {  	s9 =	smul.u32 $0xF7A, s1;
	s8 =	simm.s32 @!p0 $0x1BF5;
	p2 =	por !p2, p0  }
0x20: {  	[sflag:s8] =	ssyncset.s32 @!p0 $0xFFFFF086;
	s6 =	sadd.s32 @!p0 s3, s7;
	s7 =	simm.s32 @!p0 $0x108  }
0x21: {  	s3 =	sadd.s32 s3, s9;
	s6 =	sadd.s32 @!p0 $0x88, s6;
	s7 =	simm.s32 @p2 $0x1082  }
0x22: {  	[simem:s7], [sflag:s8] =	dma.local @!p0 [hbm:s6], $0xF7A  }
0x23: {  	s9 =	sor.u32 $0xD0000000, s2;
	s6 =	simm.s32 $0x108;
	_ =	swait.ge @!p0 [sflag:s8], $0x0  }
0x24: {  	s3 =	sadd.s32 $0x88, s3;
	s6 =	simm.s32 @!p1 $0x1082;
	[sflag:s4] =	ssyncset.s32 $0xFFFFF086  }
0x25: {  	[simem:s6], [sflag:s4] =	dma.local [hbm:s3], $0xF7A  }
0x26: {  	[smem:$0x3F96] =	sst s1;
	(tag) =	ssettag s2;
	_ =	strace s9  }
0x27: {  	s1 =	sld [smem:$0x3FA6]  }
0x28: {  	s2 =	sld [smem:$0x3FA7]  }
0x29: {  	s4 =	sld [smem:$0x3FA9]  }
0x2a: {  	p0 =	seq.s32 s5, $0x0;
	s5 =	sld [smem:$0x3FAA]  }
0x2b: {  	s6 =	sld [smem:$0x3FAB]  }
0x2c: {  	s7 =	sld [smem:$0x3FAC]  }
0x2d: {  	s3 =	simm.s32 $0x108;
	s8 =	sld [smem:$0x3FAD]  }
0x2e: {  	s3 =	simm.s32 @!p0 $0x1082;
	s9 =	sld [smem:$0x3FAE]  }
0x2f: {  	lr =	sadd.s32 s0, s3;
	s0 =	sld [smem:$0x3FA5]  }
0x30: {  	s3 =	sld [smem:$0x3FA8]  }
0x31: {  	[smem:$0x3FB1] =	sst s10  }
0x32: {  	s10 =	sld [smem:$0x3FAF];
	_ =	sdelay $0x3  }
0x33: {  	p0 =	seq.s32 s10, $0x1;
	s10 =	sld [smem:$0x3FB1];
	_ =	sdelay $0x3  }
0x34: {  	[smem:$0x3FB1] =	sst s10  }
0x35: {  	s10 =	sld [smem:$0x3FB0];
	_ =	sdelay $0x3  }
0x36: {  	p1 =	seq.s32 s10, $0x1;
	s10 =	sld [smem:$0x3FB1];
	_ =	sdelay $0x3  }
0x37: {  	[smem:$0x3FB1] =	sst s10  }
0x38: {  	s10 =	sld [smem:$0x3FB2]  }
0x39: {  	_ = 	snop;
	(pc) =	sbr.ind lr, $3  }
0x3a: {  	_ = 	snop  }
0x3b: {  	_ = 	snop  }
0x3c: {  	p2 =	seq.s32 s10, $0x1;
	s10 =	sld [smem:$0x3FB1]  }
0x3d: {  	_ =	shalt  }
0x3e: {  	_ =	shalt  }
0x3f: {  	_ =	shalt  }
0x40: {  	_ =	shalt  }
0x41: {  	_ =	shalt  }
0x42: {  	_ =	shalt  }
0x43: {  	_ =	shalt  }
0x44: {  	_ =	shalt  }
0x45: {  	_ =	shalt  }
0x46: {  	_ =	shalt  }
0x47: {  	_ =	shalt  }
0x48: {  	_ =	shalt  }
0x49: {  	_ =	shalt  }
0x4a: {  	_ =	shalt  }
0x4b: {  	_ =	shalt  }
0x4c: {  	_ =	shalt  }
0x4d: {  	_ =	shalt  }
0x4e: {  	_ =	shalt  }
0x4f: {  	_ =	shalt  }
0x50: {  	_ =	shalt  }
0x51: {  	_ =	shalt  }
0x52: {  	_ =	shalt  }
0x53: {  	_ =	shalt  }
0x54: {  	_ =	shalt  }
0x55: {  	_ =	shalt  }
0x56: {  	_ =	shalt  }
0x57: {  	_ =	shalt  }
0x58: {  	_ =	shalt  }
0x59: {  	_ =	shalt  }
0x5a: {  	_ =	shalt  }
0x5b: {  	_ =	shalt  }
0x5c: {  	_ =	shalt  }
0x5d: {  	_ =	shalt  }
0x5e: {  	_ =	shalt  }
0x5f: {  	_ =	shalt  }
0x60: {  	_ =	shalt  }
0x61: {  	_ =	shalt  }
0x62: {  	_ =	shalt  }
0x63: {  	_ =	shalt  }
0x64: {  	_ =	shalt  }
0x65: {  	_ =	shalt  }
0x66: {  	_ =	shalt  }
0x67: {  	_ =	shalt  }
0x68: {  	_ =	shalt  }
0x69: {  	_ =	shalt  }
0x6a: {  	_ =	shalt  }
0x6b: {  	_ =	shalt  }
0x6c: {  	_ =	shalt  }
0x6d: {  	_ =	shalt  }
0x6e: {  	_ =	shalt  }
0x6f: {  	_ =	shalt  }
0x70: {  	_ =	shalt  }
0x71: {  	_ =	shalt  }
0x72: {  	_ =	shalt  }
0x73: {  	_ =	shalt  }
0x74: {  	_ =	shalt  }
0x75: {  	_ =	shalt  }
0x76: {  	_ =	shalt  }
0x77: {  	_ =	shalt  }
0x78: {  	_ =	shalt  }
0x79: {  	_ =	shalt  }
0x7a: {  	_ =	shalt  }
0x7b: {  	_ =	shalt  }
0x7c: {  	_ =	shalt  }
0x7d: {  	_ =	shalt  }
0x7e: {  	_ =	shalt  }
0x7f: {  	_ =	shalt  }
0x80: {  	_ =	shalt  }
0x81: {  	_ =	shalt  }
0x82: {  	_ =	shalt  }
0x83: {  	_ =	shalt  }
0x84: {  	_ =	shalt  }
0x85: {  	_ =	shalt  }
0x86: {  	_ =	shalt  }
0x87: {  	_ =	shalt  }
.Lfunc_end0:
.L_simem_size_0:
called_computation.1_lowered:
.L_overlay_start_0:
0x88: {  	s2 =	sld [smem:$0x3FD9]  }
0x89: {  	s3 =	sld [smem:$0x3FFE];
	_ =	sdelay $0x1  }
0x8a: {  	s1 =	srdreg.scid  }
0x8b: {  	s0 =	sand.u32 $0x1, s1  }
0x8c: {  	s17 =	sshll.u32 s0, $0xA;
	s2 =	sadd.s32 s3, s2  }
0x8d: {  	s2 =	sadd.s32 s2, s17  }
0x8e: {  	[smem:$0x3FBD] =	sst s2  }
0x8f: {  	_ = 	snop  }
0x90: {  	s2 =	sld [smem:$0x3FD0];
	(tm) =	ssettm $0x1  }
0x91: {  	s18 =	sld [smem:$0x3FFB];
	_ =	sdelay $0x3  }
0x92: {  	_ =	strace s18  }
0x93: {  	s3 =	sld [smem:$0x3FFC];
	_ =	sdelay $0x3  }
0x94: {  	_ =	strace s3  }
0x95: {  	s3 =	sld [smem:$0x3FFD];
	_ =	sdelay $0x3  }
0x96: {  	_ =	strace s3  }
0x97: {  	_ =	strace $0x8FFFFFFF  }
0x98: {  	s19 =	sld [smem:$0x3FDB];
	_ =	sdelay $0x1  }
0x99: {  	s4 =	simm.s32 $_scs_section_size  }
0x9a: {  	s5 =	simm.s32 $_size__tile_overlayer_lowered;
	s6 =	simm.s32 $_tile_overlayer_lowered  }
0x9b: {  	s22 =	simm.s32 $0x1BFF;
	s21 =	sshll.u32 s6, $0x1;
	s3 =	sadd.s32 s4, s19  }
0x9c: {  	s7 =	simm.s32 $0x0;
	s20 =	sshll.u32 s5, $0x1;
	s5 =	sadd.s32 s21, s3  }
0x9d: {  	[timem:s7], [sflag:s22] =	dma.local [hbm:s5], s20  }
0x9e: {  	_ =	swait.ge [sflag:s22], s20  }
0x9f: {  	s4 =	ssub.s32 $0x0, s20;
	[sflag:s22] =	ssyncset.done $0x0  }
0xa0: {  	[sflag:s22] =	ssyncadd.s32 s4;
	_ =	sdelay $0x1  }
0xa1: {  	s23 =	simm.s32 $0x1B8B  }
0xa2: {  	_ =	swait.ge [sflag:s23], $0x1  }
0xa3: {  	[sflag:s23] =	ssyncset.done $0x0  }
0xa4: {  	s25 =	simm.s32 $0x1B8E;
	s24 =	sld [smem:$0x3FFE];
	[sflag:s23] =	ssyncadd.s32 $0xFFFFFFFF  }
0xa5: {  	s26 =	simm.s32 $execute0_lowered;
	[smem:$0x3FD2] =	sst s25  }
0xa6: {  	s5 =	sshll.u32 s26, $0x1;
	_ =	strace $0x80000046;
	[dreg:$0x1] =	wrdreg $0xFFFFFFFF  }
0xa7: {  	s28 =	simm.s32 $_size_execute0_lowered;
	s3 =	sadd.s32 s3, s5;
	[dreg:$0x0] =	wrdreg $0x0  }
0xa8: {  	s5 =	sshll.u32 s28, $0x1;
	[dreg:$0x2] =	wrdreg s3  }
0xa9: {  	[dreg:$0x3] =	wrdreg s5  }
0xaa: {  	[dreg:$0x4] =	wrdreg $0xC0  }
0xab: {  	_ =	task [dreg:s7], $0x5FFFF  }
0xac: {  	[dreg:$0x1] =	wrdreg $0xFFFFFFFF  }
0xad: {  	[dreg:$0x0] =	wrdreg $0x60  }
0xae: {  	[dreg:$0x2] =	wrdreg s2  }
0xaf: {  	[dreg:$0x3] =	wrdreg s24  }
0xb0: {  	[dreg:$0x4] =	wrdreg $0x9  }
0xb1: {  	_ =	task.clear_ibuf [dreg:s7], $0x5FFFF;
	_ =	strace $0x90000046  }
0xb2: {  	s29 =	simm.s32 $0x9;
	_ =	strace $0x80000048  }
0xb3: {  	_ =	swait.ge [sflag:s29], $0x1  }
0xb4: {  	[sflag:s29] =	ssyncadd.s32 $0xFFFFFFFF  }
0xb5: {  	_ =	strace $0x90000048  }
0xb6: {  	_ =	sfence  }
0xb7: {  	s30 =	sld [smem:$0x0];
	_ =	sdelay $0x2  }
0xb8: {  	s31 =	sshll.u32 s1, $0xD;
	s1 =	sshrl.u32 s1, $0x2  }
0xb9: {  	s3 =	sand.u32 $0x4000, s31;
	s1 =	sadd.s32 s1, s30  }
0xba: {  	s0 =	sor.u32 s3, s0;
	s1 =	sshll.u32 s1, $0x11  }
0xbb: {  	s0 =	sor.u32 s1, s0  }
0xbc: {  	s0 =	sadd.s32 $0x8F2B, s0  }
0xbd: {  	[sflag:s0] =	ssyncadd.remote.s32 $0x1  }
0xbe: {  	_ =	sfence.sel $0xFFFF  }
0xbf: {  	[dreg:$0x0] =	wrdreg $0xFFFFFFFF;
	(pc) =	sbr.abs _section_cstart, $3  }
0xc0: {  	[dreg:$0x1] =	wrdreg $0xFFFFFFFF  }
0xc1: {  	_ =	task.clear_ibuf [dreg:s7], $0x2FFFF;
	_ =	strace $0x9FFFFFFF  }
0xc2: {  	(tm) =	ssettm $0x7FFFFFFF  }
0xc3: {  	_ =	shalt  }
tec
execute0_lowered:
.L_overlay_start_1:
0x0: {  	(tag) =	ssettag $0x1  }
0x1: {  	s4 =	rddreg [dreg:$0x0];
	s1 =	srdreg.scid  }
0x2: {  	s0 =	stileid.u32;
	s5 =	rddreg [dreg:$0x1];
	s2 =	simm.s32 $0x0  }
0x3: {  	s12 =	simm.s32 $0x1;
	s13 =	simm.s32 $0x2;
	s14 =	simm.s32 $0x0  }
0x4: {  	s3 =	sand.u32 $0x1, s1;
	s6 =	sshll.u32 s0, $0x1;
	s1 =	rddreg [dreg:$0x2]  }
0x5: {  	[smem:$0x7FF] =	sst s2;
	s7 =	smul.u32 $0x64000, s0;
	s6 =	sor.u32 s3, s6  }
0x6: {  	_ =	strace $0x80000047;
	s8 =	ssub.s32 $0x2, s3;
	s11 =	smul.u32 $0x32000, s3  }
0x7: {  	s6 =	smul.u32 $0xC80, s6;
	s10 =	sshrl.u32 s8, $0x1;
	s7 =	sadd.s32 s7, s5  }
0x8: {  	s3 =	sadd.s32 $0x2200, s5;
	s8 =	ssub.s32 s8, s10;
	s7 =	sadd.s32 s11, s7  }
0x9: {  	s10 =	simm.s32 $0x80;
	s11 =	simm.s32 $0xC800;
	s9 =	sadd.s32 s6, s5  }
0xa: {  	s4 =	sadd.s32 s4, s6;
	s6 =	smax.u32 s8, $0x1;
	s7 =	sadd.s32 $0x2AC00, s7  }
0xb: {  	s8 =	simm.s32 $0x3;
	s5 =	sadd.s32 $0x11C00, s9;
	s9 =	simm.s32 $0x6400  }
.LBB2_1:
0xc: {  	[tilespmem:s2], [sflag:$0x3] =	stream.linear.gather [hbm4b:s4+s2], $0x6400, $0x38;
	[tilespmem:$0xE800] =	vst v63  }
0xd: {  	_ =	swait.ge [sflag:s8], $0x6400  }
0xe: {  	[sflag:s8] =	ssyncset.done $0x0  }
0xf: {  	[sflag:s8] =	ssyncadd.s32 $0xFFFF9C00  }
0x10: {  	[tilespmem:s9], [sflag:$0x3] =	stream.linear.gather [hbm4b:s5+s2], $0x6400, $0x38;
	[tilespmem:$0xE800] =	vst v63  }
0x11: {  	_ =	swait.ge [sflag:s8], $0x6400  }
0x12: {  	[sflag:s8] =	ssyncset.done $0x0  }
0x13: {  	s15 =	simm.s32 $0x0;
	[sflag:s8] =	ssyncadd.s32 $0xFFFF9C00  }
0x14: {  	v6 =	vld [tilespmem:s15+$0x6400]  }
0x15: {  	v5 =	vld [tilespmem:s15+$0x6410]  }
0x16: {  	v4 =	vld [tilespmem:s15+$0x6420]  }
0x17: {  	v3 =	vld [tilespmem:s15+$0x6430]  }
0x18: {  	v2 =	vld [tilespmem:s15+$0x6440]  }
0x19: {  	v1 =	vld [tilespmem:s15+$0x6450]  }
0x1a: {  	v0 =	vld [tilespmem:s15+$0x6460]  }
0x1b: {  	v7 =	vld [tilespmem:s15+$0x0]  }
0x1c: {  	v12 =	vld [tilespmem:s15+$0x10]  }
0x1d: {  	v10 =	vld [tilespmem:s15+$0x20]  }
0x1e: {  	v9 =	vld [tilespmem:s15+$0x30]  }
0x1f: {  	v8 =	vld [tilespmem:s15+$0x40]  }
0x20: {  	v11 =	vshll.u32 v7, $0x3;
	v7 =	vld [tilespmem:s15+$0x50]  }
0x21: {  	s16 =	simm.s32 $0x200;
	v12 =	vshll.u32 v12, $0x3;
	v11 =	vadd.s32 v6, v11;
	v6 =	vld [tilespmem:s15+$0x60]  }
.LBB2_2:
0x22: {  	p0 =	sne.s32 s16, $0x18E00;
	[tilespmem:s15+$0x0] =	vst v11;
	v5 =	vadd.s32 v5, v12;
	v10 =	vshll.u32 v10, $0x3;
	v11 =	vld [tilespmem:s15+$0x70]  }
0x23: {  	s17 =	sshra.s32 s16, $0x2;
	[tilespmem:s15+$0x10] =	vst v5;
	v4 =	vadd.s32 v4, v10;
	v5 =	vshll.u32 v9, $0x3;
	v9 =	vld [tilespmem:s15+$0x6470]  }
0x24: {  	v12 =	vld [tilespmem:s17+$0x6400];
	[tilespmem:s15+$0x20] =	vst v4;
	v3 =	vadd.s32 v3, v5;
	v4 =	vshll.u32 v8, $0x3  }
0x25: {  	v5 =	vld [tilespmem:s17+$0x6410];
	[tilespmem:s15+$0x30] =	vst v3;
	v2 =	vadd.s32 v2, v4;
	v3 =	vshll.u32 v7, $0x3  }
0x26: {  	v4 =	vld [tilespmem:s17+$0x6420];
	[tilespmem:s15+$0x40] =	vst v2;
	v1 =	vadd.s32 v1, v3;
	v2 =	vshll.u32 v6, $0x3  }
0x27: {  	v3 =	vld [tilespmem:s17+$0x6430];
	[tilespmem:s15+$0x50] =	vst v1;
	v0 =	vadd.s32 v0, v2;
	v1 =	vshll.u32 v11, $0x3  }
0x28: {  	v2 =	vld [tilespmem:s17+$0x6440];
	[tilespmem:s15+$0x60] =	vst v0;
	v0 =	vadd.s32 v9, v1  }
0x29: {  	v1 =	vld [tilespmem:s17+$0x6450];
	[tilespmem:s15+$0x70] =	vst v0;
	s15 =	smov.u32 s17  }
0x2a: {  	v0 =	vld [tilespmem:s15+$0x6460]  }
0x2b: {  	v6 =	vld [tilespmem:s15+$0x0]  }
0x2c: {  	v13 =	vld [tilespmem:s15+$0x10]  }
.Ltmp0:
0x2d: {  	v10 =	vld [tilespmem:s15+$0x20];
	(pc) =	sbr.rel @p0 .LBB2_2-.Ltmp0, $4  }
0x2e: {  	v9 =	vld [tilespmem:s15+$0x30]  }
0x2f: {  	v8 =	vld [tilespmem:s15+$0x40]  }
0x30: {  	v6 =	vshll.u32 v6, $0x3;
	v7 =	vld [tilespmem:s15+$0x50]  }
0x31: {  	s16 =	sadd.s32 $0x200, s16;
	v11 =	vadd.s32 v12, v6;
	v12 =	vshll.u32 v13, $0x3;
	v6 =	vld [tilespmem:s15+$0x60]  }
0x32: {  	[tilespmem:s15+$0x0] =	vst v11;
	v5 =	vadd.s32 v5, v12;
	v56 =	vld [tilespmem:s15+$0x70];
	v10 =	vshll.u32 v10, $0x3  }
0x33: {  	v58 =	vld [tilespmem:s15+$0x6470];
	[tilespmem:s15+$0x10] =	vst v5;
	v4 =	vadd.s32 v4, v10;
	v57 =	vshll.u32 v9, $0x3  }
0x34: {  	[tilespmem:s15+$0x20] =	vst v4;
	v3 =	vadd.s32 v3, v57;
	v59 =	vshll.u32 v8, $0x3  }
0x35: {  	[tilespmem:s15+$0x30] =	vst v3;
	v2 =	vadd.s32 v2, v59;
	v60 =	vshll.u32 v7, $0x3  }
0x36: {  	[tilespmem:s15+$0x40] =	vst v2;
	v1 =	vadd.s32 v1, v60;
	v61 =	vshll.u32 v6, $0x3  }
0x37: {  	[tilespmem:s15+$0x50] =	vst v1;
	v0 =	vadd.s32 v0, v61;
	v62 =	vshll.u32 v56, $0x3  }
0x38: {  	[tilespmem:s15+$0x60] =	vst v0;
	v63 =	vadd.s32 v58, v62  }
0x39: {  	s31 =	simm.s32 $0x0;
	[tilespmem:s15+$0x70] =	vst v63  }
0x3a: {  	[tilespmem:s11], [sflag:$0x1] =	stream.indirect.gather [hbm4b:s3+s10], $0x40, s31, s10, $0xb8;
	[tilespmem:$0xE800] =	vst v63  }
0x3b: {  	_ =	swait.ge [sflag:s12], $0x2000  }
0x3c: {  	[sflag:s12] =	ssyncset.done $0x0  }
0x3d: {  	[sflag:s12] =	ssyncadd.s32 $0xFFFFE000  }
0x3e: {  	[hbm4b:s7+s2] =	stream.linear.scatter [tilespmem:s11], [sflag:$0x2], $0x2000, $0x38;
	[tilespmem:$0xE800] =	vst v63  }
0x3f: {  	s16 =	simm.s32 $0x200;
	_ =	swait.ge [sflag:s13], $0x2000  }
0x40: {  	s17 =	simm.s32 $0x400;
	s15 =	sadd.s32 $0x400, s7;
	[sflag:s13] =	ssyncset.done $0x0  }
.LBB2_4:
0x41: {  	s18 =	sshra.s32 s16, $0x2  }
0x42: {  	[sflag:s13] =	ssyncadd.s32 $0xFFFFE000;
	s16 =	smov.u32 s17;
	s19 =	sadd.s32 $0x200, s17  }
0x43: {  	[tilespmem:s11], [sflag:$0x1] =	stream.indirect.gather [hbm4b:s3+s10], $0x40, s18, s10, $0xb8;
	[tilespmem:$0xE800] =	vst v63  }
0x44: {  	p0 =	sne.s32 s17, $0x18E00;
	_ =	swait.ge [sflag:s12], $0x2000  }
.Ltmp1:
0x45: {  	[sflag:s12] =	ssyncset.done $0x0;
	(pc) =	sbr.rel @p0 .LBB2_4-.Ltmp1, $4  }
0x46: {  	[sflag:s12] =	ssyncadd.s32 $0xFFFFE000  }
0x47: {  	[hbm4b:s15+s2] =	stream.linear.scatter [tilespmem:s11], [sflag:$0x2], $0x2000, $0x38;
	[tilespmem:$0xE800] =	vst v63  }
0x48: {  	_ =	swait.ge [sflag:s13], $0x2000  }
0x49: {  	s17 =	smov.u32 s19;
	s15 =	sadd.s32 $0x400, s15;
	[sflag:s13] =	ssyncset.done $0x0  }
0x4a: {  	s16 =	sshra.s32 s16, $0x2;
	[sflag:s13] =	ssyncadd.s32 $0xFFFFE000  }
0x4b: {  	[tilespmem:s11], [sflag:$0x1] =	stream.indirect.gather [hbm4b:s3+s10], $0x40, s16, s10, $0xb8;
	[tilespmem:$0xE800] =	vst v63  }
0x4c: {  	s14 =	sadd.s32 $0x1, s14;
	_ =	swait.ge [sflag:s12], $0x2000  }
0x4d: {  	p0 =	sne.s32 s14, s6;
	[sflag:s12] =	ssyncset.done $0x0  }
.Ltmp2:
0x4e: {  	[sflag:s12] =	ssyncadd.s32 $0xFFFFE000;
	(pc) =	sbr.rel @p0 .LBB2_1-.Ltmp2, $4  }
0x4f: {  	[hbm4b:s15+s2] =	stream.linear.scatter [tilespmem:s11], [sflag:$0x2], $0x2000, $0x38;
	[tilespmem:$0xE800] =	vst v63  }
0x50: {  	_ =	swait.ge [sflag:s13], $0x2000  }
0x51: {  	[sflag:s13] =	ssyncset.done $0x0  }
0x52: {  	[sflag:s13] =	ssyncadd.s32 $0xFFFFE000  }
0x53: {  	_ =	sfence.sel $0x180000  }
0x54: {  	[bflag:$0x0] =	sbarrier.arrive $0xFFFF  }
0x55: {  	p0 =	sne.s32 s0, $0x0;
	_ =	strace $0x90000047  }
0x56: {  	s0 =	sadd.s32 @!p0 $0x100000, s1;
	[bflag:$0x2] =	sbarrier.arrive $0xFFFF  }
0x57: {  	[sflag:s0] =	ssyncadd.tile.s32 @!p0 $0x1;
	_ =	shalt  }
.Lfunc_end2:
_tile_overlayer_lowered:
.L_overlay_start_2:
0x58: {  	(tag) =	ssettag $0x2  }
0x59: {  	s0 =	rddreg [dreg:$0x0];
	s2 =	stileid.u32  }
0x5a: {  	s1 =	rddreg [dreg:$0x1];
	p0 =	sne.s32 s2, $0x0  }
0x5b: {  	s3 =	rddreg [dreg:$0x2];
	[bflag:$0x3] =	sbarrier.arrive $0xFFFF;
	s2 =	simm.s32 @!p0 $0x1C03  }
0x5c: {  	[timem:s3], [sflag:s2] =	dma.local @!p0 [hbm:s0], s1  }
0x5d: {  	s0 =	simm.s32 @!p0 $0x3  }
0x5e: {  	_ =	swait.ge @!p0 [sflag:s0], s1  }
0x5f: {  	s1 =	ssub.s32 @!p0 $0x0, s1;
	[sflag:s0] =	ssyncset.done @!p0 $0x0  }
0x60: {  	[sflag:s0] =	ssyncadd.s32 @!p0 s1  }
0x61: {  	[bflag:$0x3] =	sbarrier.arrive $0xFFFF  }
0x62: {  	_ =	shalt  }

// kernel: sparse-core-data-format-call.cloned.1.call-start
scs
called_computation_lowered:
.L_overlay_start_0:
0x0: {  	s2 =	sld [smem:$0x3FD9]  }
0x1: {  	s3 =	sld [smem:$0x3FFE];
	_ =	sdelay $0x1  }
0x2: {  	s1 =	srdreg.scid  }
0x3: {  	s0 =	sand.u32 $0x1, s1  }
0x4: {  	s18 =	sshll.u32 s0, $0xA;
	s2 =	sadd.s32 s3, s2  }
0x5: {  	s2 =	sadd.s32 s2, s18  }
0x6: {  	[smem:$0x3FBD] =	sst s2  }
0x7: {  	_ = 	snop  }
0x8: {  	s2 =	sld [smem:$0x3FD0];
	(tm) =	ssettm $0x1  }
0x9: {  	s19 =	sld [smem:$0x3FFB];
	_ =	sdelay $0x3  }
0xa: {  	_ =	strace s19  }
0xb: {  	s3 =	sld [smem:$0x3FFC];
	_ =	sdelay $0x3  }
0xc: {  	_ =	strace s3  }
0xd: {  	s3 =	sld [smem:$0x3FFD];
	_ =	sdelay $0x3  }
0xe: {  	_ =	strace s3  }
0xf: {  	_ =	strace $0x8FFFFFFF  }
0x10: {  	s20 =	sld [smem:$0x3FDB];
	_ =	sdelay $0x1  }
0x11: {  	s4 =	simm.s32 $_scs_section_size  }
0x12: {  	s5 =	simm.s32 $_size__tile_overlayer_lowered;
	s6 =	simm.s32 $_tile_overlayer_lowered  }
0x13: {  	s23 =	simm.s32 $0x1BFF;
	s22 =	sshll.u32 s6, $0x1;
	s3 =	sadd.s32 s4, s20  }
0x14: {  	s7 =	simm.s32 $0x0;
	s21 =	sshll.u32 s5, $0x1;
	s5 =	sadd.s32 s22, s3  }
0x15: {  	[timem:s7], [sflag:s23] =	dma.local [hbm:s5], s21  }
0x16: {  	_ =	swait.ge [sflag:s23], s21  }
0x17: {  	s4 =	ssub.s32 $0x0, s21;
	[sflag:s23] =	ssyncset.done $0x0  }
0x18: {  	[sflag:s23] =	ssyncadd.s32 s4;
	_ =	sdelay $0x1  }
0x19: {  	s24 =	simm.s32 $0x1B8B  }
0x1a: {  	_ =	swait.ge [sflag:s24], $0x1  }
0x1b: {  	[sflag:s24] =	ssyncset.done $0x0  }
0x1c: {  	s26 =	simm.s32 $0x1B8E;
	s25 =	sld [smem:$0x3FFE];
	[sflag:s24] =	ssyncadd.s32 $0xFFFFFFFF  }
0x1d: {  	s27 =	simm.s32 $execute0_lowered;
	[smem:$0x3FD2] =	sst s26  }
0x1e: {  	s5 =	sshll.u32 s27, $0x1;
	_ =	strace $0x80000049;
	[dreg:$0x1] =	wrdreg $0xFFFFFFFF  }
0x1f: {  	s28 =	simm.s32 $_size_execute0_lowered;
	s3 =	sadd.s32 s3, s5;
	[dreg:$0x0] =	wrdreg $0x0  }
0x20: {  	s5 =	sshll.u32 s28, $0x1;
	[dreg:$0x2] =	wrdreg s3  }
0x21: {  	[dreg:$0x3] =	wrdreg s5  }
0x22: {  	[dreg:$0x4] =	wrdreg $0xC0  }
0x23: {  	_ =	task [dreg:s7], $0x5FFFF  }
0x24: {  	[dreg:$0x1] =	wrdreg $0xFFFFFFFF  }
0x25: {  	[dreg:$0x0] =	wrdreg $0x60  }
0x26: {  	[dreg:$0x2] =	wrdreg s25  }
0x27: {  	[dreg:$0x3] =	wrdreg s2  }
0x28: {  	[dreg:$0x4] =	wrdreg $0x9  }
0x29: {  	_ =	task.clear_ibuf [dreg:s7], $0x5FFFF;
	_ =	strace $0x90000049  }
0x2a: {  	s29 =	simm.s32 $0x9;
	_ =	strace $0x8000004B  }
0x2b: {  	_ =	swait.ge [sflag:s29], $0x1  }
0x2c: {  	[sflag:s29] =	ssyncadd.s32 $0xFFFFFFFF  }
0x2d: {  	_ =	strace $0x9000004B  }
0x2e: {  	_ =	sfence  }
0x2f: {  	s30 =	sld [smem:$0x0];
	_ =	sdelay $0x2  }
0x30: {  	s31 =	sshll.u32 s1, $0xD;
	s1 =	sshrl.u32 s1, $0x2  }
0x31: {  	s3 =	sand.u32 $0x4000, s31;
	s1 =	sadd.s32 s1, s30  }
0x32: {  	s0 =	sor.u32 s3, s0;
	s1 =	sshll.u32 s1, $0x11  }
0x33: {  	s0 =	sor.u32 s1, s0  }
0x34: {  	s0 =	sadd.s32 $0x8F2B, s0  }
0x35: {  	[sflag:s0] =	ssyncadd.remote.s32 $0x1  }
0x36: {  	_ =	sfence.sel $0xFFFF  }
0x37: {  	[dreg:$0x0] =	wrdreg $0xFFFFFFFF;
	(pc) =	sbr.abs _section_cstart, $3  }
0x38: {  	[dreg:$0x1] =	wrdreg $0xFFFFFFFF  }
0x39: {  	_ =	task.clear_ibuf [dreg:s7], $0x2FFFF;
	_ =	strace $0x9FFFFFFF  }
0x3a: {  	(tm) =	ssettm $0x7FFFFFFF  }
0x3b: {  	_ =	shalt  }
tec
execute0_lowered:
.L_overlay_start_1:
0x0: {  	(tag) =	ssettag $0x1  }
0x1: {  	s0 =	srdreg.scid  }
0x2: {  	s1 =	sshll.u32 s0, $0x4  }
0x3: {  	s0 =	stileid.u32;
	s1 =	sand.u32 $0x10, s1  }
0x4: {  	s1 =	sor.u32 s0, s1  }
0x5: {  	s6 =	rddreg [dreg:$0x0];
	s4 =	simm.s32 $0x1;
	s2 =	sshll.u32 s1, $0x7  }
0x6: {  	s7 =	simm.s32 $0x2;
	s12 =	simm.s32 $0x0;
	s1 =	ssub.s32 $0x1000, s2  }
0x7: {  	s8 =	simm.s32 $0x8000;
	s13 =	simm.s32 $0x0;
	s3 =	sand.u32 $0xF80, s1  }
0x8: {  	s9 =	simm.s32 $0x0;
	s5 =	sshrl.u32 s1, $0xC;
	p0 =	sne.s32 s3, $0x0  }
.Ltmp0:
0x9: {  	s1 =	rddreg [dreg:$0x2];
	s4 =	simm.s32 @!p0 $0x0;
	(pc) =	sbr.rel .LBB1_1-.Ltmp0, $4  }
0xa: {  	s11 =	simm.s32 $0x0;
	s3 =	rddreg [dreg:$0x1];
	s5 =	sadd.s32 s4, s5  }
0xb: {  	_ =	strace $0x8000004A;
	s4 =	simm.s32 $0x1;
	s5 =	smul.u32 $0xC8, s5  }
0xc: {  	s6 =	sadd.s32 $0x12EAC00, s6;
	s10 =	smov.u32 s2;
	[sflag:s4] =	ssyncpa.u1 $0x0  }
0xd: {  	p0 =	por $0x0, $0x0;
	[sflag:s7] =	ssyncpa.u1 $0x0;
	s7 =	sor.u32 $0x1, s5  }
.LBB1_4:
0xe: {  	s16 =	sshll.u32 s13, $0x3;
	s17 =	sand.u32 $0x78, s13  }
0xf: {  	s30 =	sand.u32 $0x7E00, s13;
	s12 =	sshll.u32 s12, $0xF;
	s16 =	sand.u32 $0xC00, s16  }
0x10: {  	[tilespmem:s15+$0x810 ss:$0x81] =	vst.msk $0xffff, v2;
	s31 =	sand.u32 $0x7, s13;
	s16 =	sor.u32 s17, s16;
	s17 =	sadd.s32 s3, s30  }
0x11: {  	[tilespmem:s15+$0x1020 ss:$0x81] =	vst.msk $0xffff, v0;
	s13 =	sshll.u32 s31, $0x12;
	s12 =	sadd.s32 s12, s17;
	s16 =	sshrl.u32 s16, $0x3  }
0x12: {  	[tilespmem:s15+$0x0 ss:$0x81] =	vst.msk $0xffff, v1;
	s13 =	sor.u32 $0x400, s13;
	s12 =	sadd.s32 s16, s12  }
0x13: {  	[hbm4b:s12+s13] =	stream.strided.scatter [tilespmem:s14], [sflag:$0x2], $0x2000, s8, s13, $0x20;
	[tilespmem:$0x8080] =	vst v63  }
.LBB1_5:
0x14: {  	s14 =	sadd.s32 $0x1, s9  }
0x15: {  	s12 =	sadd.s32 $0x1000, s10;
	s16 =	smov.u32 s10;
	p2 =	sgt.s32 s14, $0xC7  }
0x16: {  	s16 =	smov.u32 @p2 s12  }
0x17: {  	s14 =	simm.s32 @p2 $0x0;
	p2 =	sgt.s32 s16, $0xFFF  }
0x18: {  	s16 =	smov.u32 @p2 s2;
	p2 =	sne.s32 s11, s7  }
.Ltmp1:
0x19: {  	p1 =	slt.u32 s11, $0x2;
	(pc) =	sbr.rel @!p2 .LBB1_6-.Ltmp1, $4  }
0x1a: {  	s15 =	simm.s32 @!p1 $0x2  }
0x1b: {  	s13 =	smov.u32 s10;
	p0 =	por !p0, !p0;
	_ =	swait.ge @!p1 [sflag:s15], $0x2000  }
0x1c: {  	s12 =	smov.u32 s9;
	[sflag:s15] =	ssyncset.done @!p1 $0x0;
	s9 =	smov.u32 s14  }
0x1d: {  	s11 =	sadd.s32 $0x1, s11;
	[sflag:s15] =	ssyncadd.s32 @!p1 $0xFFFFE000;
	s10 =	smov.u32 s16  }
.LBB1_1:
0x1e: {  	p1 =	sge.u32 s11, s5  }
0x1f: {  	s14 =	sand.u32 @!p1 $0x1FFFFFF, s9  }
0x20: {  	s15 =	smulhi.u32 @!p1 $0x147AE15, s14;
	_ =	sdelay $0x1  }
0x21: {  	s15 =	smul.u32 @!p1 $0xC8, s15  }
0x22: {  	s16 =	sxor.u32 @!p1 $0xFFFFFFFF, s11;
	s17 =	smul.u32 @!p1 $0xC80, s10  }
0x23: {  	s31 =	sadd.s32 $0xFFFFFFFF, s11;
	s16 =	sshll.u32 @!p1 s16, $0xD;
	s14 =	ssub.s32 @!p1 s14, s15  }
0x24: {  	s15 =	sand.u32 @!p1 $0x2000, s16;
	s16 =	sadd.s32 @!p1 s6, s17;
	s14 =	sshll.u32 @!p1 s14, $0x4  }
0x25: {  	s17 =	simm.s32 @!p1 $0x6400;
	s14 =	sadd.s32 @!p1 s14, s16;
	s16 =	simm.s32 @!p1 $0x40  }
0x26: {  	[tilespmem:s15], [sflag:$0x1] =	stream.strided.gather @!p1 [hbm4b:s14+s16], $0x2000, s17, s16, $0x38;
	[tilespmem:$0x8080] =	vst v63  }
0x27: {  	p1 =	sge.u32 s31, s5  }
.Ltmp2:
0x28: {  	_ = 	snop;
	(pc) =	sbr.rel @p1 .LBB1_5-.Ltmp2, $1  }
0x29: {  	_ =	sdelay $0x3  }
0x2a: {  	s14 =	simm.s32 $0x1  }
0x2b: {  	_ =	swait.ge [sflag:s4], $0x2000;
	s14 =	simm.s32 @!p0 $0x0  }
0x2c: {  	[sflag:s4] =	ssyncset.done $0x0;
	s15 =	sshll.u32 s14, $0xD  }
0x2d: {  	[sflag:s4] =	ssyncadd.s32 $0xFFFFE000;
	s18 =	sor.u32 $0x20, s15  }
0x2e: {  	s14 =	smul.u32 $0x8100, s14;
	v3 =	vld [tilespmem:s18+$0x10]  }
0x2f: {  	s30 =	sand.u32 $0x1, s11;
	v2 =	vld [tilespmem:s18+$0xFFFFFFF0]  }
0x30: {  	s15 =	smul.u32 $0x8100, s30;
	s14 =	sshrl.u32 s14, $0x2;
	v0 =	vld [tilespmem:s18+$0x0]  }
0x31: {  	v1 =	vld [tilespmem:s18+$0xFFFFFFE0];
	s16 =	sor.u32 $0x4000, s14  }
0x32: {  	s31 =	sshrl.u32 s15, $0x2;
	s15 =	sadd.s32 $0x0, s16  }
0x33: {  	s17 =	simm.s32 $0x4;
	s18 =	sadd.s32 $0x40, s18;
	s14 =	sor.u32 $0x4000, s31;
	[tilespmem:s15+$0x1830 ss:$0x81] =	vst.msk $0xffff, v3  }
.LBB1_3:
0x34: {  	v3 =	vld [tilespmem:s18+$0x10];
	p1 =	sne.s32 s17, $0x1FC;
	[tilespmem:s15+$0x810 ss:$0x81] =	vst.msk $0xffff, v2;
	s19 =	smov.u32 s17;
	s17 =	sadd.s32 $0x4, s17  }
.Ltmp3:
0x35: {  	v2 =	vld [tilespmem:s18+$0xFFFFFFF0];
	[tilespmem:s15+$0x1020 ss:$0x81] =	vst.msk $0xffff, v0;
	(pc) =	sbr.rel @p1 .LBB1_3-.Ltmp3, $4  }
0x36: {  	v0 =	vld [tilespmem:s18+$0x0];
	[tilespmem:s15+$0x0 ss:$0x81] =	vst.msk $0xffff, v1  }
0x37: {  	s15 =	sshra.s32 s19, $0x2;
	v1 =	vld [tilespmem:s18+$0xFFFFFFE0]  }
0x38: {  	s15 =	sadd.s32 s15, s16  }
0x39: {  	s18 =	sadd.s32 $0x40, s18;
	[tilespmem:s15+$0x1830 ss:$0x81] =	vst.msk $0xffff, v3  }
.Ltmp4:
0x3a: {  	_ = 	snop;
	(pc) =	sbr.rel .LBB1_4-.Ltmp4, $1  }
0x3b: {  	_ =	sdelay $0x3  }
.LBB1_6:
0x3c: {  	_ =	sfence.sel $0x180000  }
0x3d: {  	s2 =	simm.s32 $0x1;
	[bflag:$0x0] =	sbarrier.arrive $0xFFFF  }
0x3e: {  	s31 =	simm.s32 $0x2;
	[sflag:s2] =	ssyncpa.u1 $0x1  }
0x3f: {  	[sflag:s31] =	ssyncpa.u1 $0x1  }
0x40: {  	p0 =	sne.s32 s0, $0x0;
	_ =	strace $0x9000004A  }
0x41: {  	s0 =	sadd.s32 @!p0 $0x100000, s1;
	[bflag:$0x2] =	sbarrier.arrive $0xFFFF  }
0x42: {  	[sflag:s0] =	ssyncadd.tile.s32 @!p0 $0x1;
	_ =	shalt  }
.Lfunc_end1:
_tile_overlayer_lowered:
.L_overlay_start_2:
0x43: {  	(tag) =	ssettag $0x2  }
0x44: {  	s0 =	rddreg [dreg:$0x0];
	s2 =	stileid.u32  }
0x45: {  	s1 =	rddreg [dreg:$0x1];
	p0 =	sne.s32 s2, $0x0  }
0x46: {  	s3 =	rddreg [dreg:$0x2];
	[bflag:$0x3] =	sbarrier.arrive $0xFFFF;
	s2 =	simm.s32 @!p0 $0x1C01  }
0x47: {  	[timem:s3], [sflag:s2] =	dma.local @!p0 [hbm:s0], s1  }
0x48: {  	s0 =	simm.s32 @!p0 $0x1  }
0x49: {  	_ =	swait.ge @!p0 [sflag:s0], s1  }
0x4a: {  	s1 =	ssub.s32 @!p0 $0x0, s1;
	[sflag:s0] =	ssyncset.done @!p0 $0x0  }
0x4b: {  	[sflag:s0] =	ssyncadd.s32 @!p0 s1  }
0x4c: {  	[bflag:$0x3] =	sbarrier.arrive $0xFFFF  }
0x4d: {  	_ =	shalt  }

</sc_bundles>
